<compile_context>
chip_gen: v7x
topology: tpu7x:2x2x1
jax: 0.10.2.dev20260603
libtpu: 0.0.44.dev20260713+nightly
codegen_flags: <defaults>
</compile_context>

<pallas_src>
import functools

import jax
import jax.numpy as jnp
from jax import lax
from jax.experimental import pallas as pl
from jax.experimental.pallas import tpu as pltpu
from jax.experimental.pallas import tpu_sc as plsc

EPS = 1e-5
KCODES = 8192
CDIM = 64
NTOK = 6272
TOK_TILE = 448
K_TILE = 2048
NKT = KCODES // K_TILE
NTT = NTOK // TOK_TILE

NTOK_PAD = 6400
NW = 32
B_PER_W = NTOK_PAD // NW
GCHUNK = 100
NCHUNK = B_PER_W // GCHUNK
GDIM = 128

PADV = -3.0e38



def _mm_body(relu_in, p_ref, s_ref, t_ref, w_ref, y_ref, st_ref):
    x = p_ref[...]
    if relu_in:
        x = jnp.maximum(x * s_ref[...] + t_ref[...], 0.0)
    y = jnp.dot(x, w_ref[...], precision=lax.Precision.HIGHEST,
                preferred_element_type=jnp.float32)
    y_ref[...] = y
    ps = jnp.sum(y, axis=0, keepdims=True)
    pq = jnp.sum(y * y, axis=0, keepdims=True)
    st_ref[...] = jnp.concatenate(
        [ps, pq, jnp.zeros((6, ps.shape[1]), jnp.float32)], axis=0)


def _mm_layer(P, s, t, W, tile, relu_in=True):
    T, K = P.shape
    C = W.shape[1]
    n = T // tile
    if s is None:
        s = jnp.ones(K, jnp.float32)
        t = jnp.zeros(K, jnp.float32)
    body = functools.partial(_mm_body, relu_in)
    y, st = pl.pallas_call(
        body,
        grid=(n,),
        in_specs=[
            pl.BlockSpec((tile, K), lambda i: (i, 0)),
            pl.BlockSpec((1, K), lambda i: (0, 0)),
            pl.BlockSpec((1, K), lambda i: (0, 0)),
            pl.BlockSpec((K, C), lambda i: (0, 0)),
        ],
        out_specs=[
            pl.BlockSpec((tile, C), lambda i: (i, 0)),
            pl.BlockSpec((8, C), lambda i: (i, 0)),
        ],
        out_shape=[
            jax.ShapeDtypeStruct((T, C), jnp.float32),
            jax.ShapeDtypeStruct((8 * n, C), jnp.float32),
        ],
    )(P, s.reshape(1, K), t.reshape(1, K), W)
    return y, st.reshape(n, 8, C)[:, 0:2, :].sum(axis=0)


def _sig_body(p_ref, s_ref, t_ref, w_ref, b_ref, o_ref):
    x = jnp.maximum(p_ref[...] * s_ref[...] + t_ref[...], 0.0)
    y = jnp.dot(x, w_ref[...], precision=lax.Precision.HIGHEST,
                preferred_element_type=jnp.float32) + b_ref[...]
    o_ref[...] = jax.nn.sigmoid(y)


def _mm_sigmoid(P, s, t, W, bias, tile):
    T, K = P.shape
    C = W.shape[1]
    n = T // tile
    return pl.pallas_call(
        _sig_body,
        grid=(n,),
        in_specs=[
            pl.BlockSpec((tile, K), lambda i: (i, 0)),
            pl.BlockSpec((1, K), lambda i: (0, 0)),
            pl.BlockSpec((1, K), lambda i: (0, 0)),
            pl.BlockSpec((K, C), lambda i: (0, 0)),
            pl.BlockSpec((1, C), lambda i: (0, 0)),
        ],
        out_specs=pl.BlockSpec((tile, C), lambda i: (i, 0)),
        out_shape=jax.ShapeDtypeStruct((T, C), jnp.float32),
    )(P, s.reshape(1, K), t.reshape(1, K), W, bias.reshape(1, C))


def _affine(st, n, g, b):
    mean = st[0] / n
    var = st[1] / n - mean * mean
    s = g / jnp.sqrt(var + EPS)
    return s, b - mean * s



def _vq_argmin_body(y3_ref, embT_ref, s_ref, t_ref, out_ref, z_ref, min_s, arg_s):
    k = pl.program_id(1)
    zt = jnp.maximum(y3_ref[...] * s_ref[...] + t_ref[...], 0.0)
    et = embT_ref[...]
    s = lax.dot_general(zt, et, (((1,), (0,)), ((), ())),
                        precision=lax.Precision.DEFAULT,
                        preferred_element_type=jnp.float32)
    l2 = jnp.sum(zt * zt, axis=1, keepdims=True)
    c2 = jnp.sum(et * et, axis=0, keepdims=True)
    d = (l2 - 2.0 * s) + c2
    m = jnp.min(d, axis=1, keepdims=True)
    iota = lax.broadcasted_iota(jnp.int32, (TOK_TILE, K_TILE), 1) + k * K_TILE
    a = jnp.min(jnp.where(d == m, iota, KCODES), axis=1, keepdims=True)

    @pl.when(k == 0)
    def _():
        z_ref[...] = zt
        min_s[...] = m
        arg_s[...] = a

    @pl.when(k > 0)
    def _():
        prev_m = min_s[...]
        prev_a = arg_s[...]
        upd = m < prev_m
        min_s[...] = jnp.where(upd, m, prev_m)
        arg_s[...] = jnp.where(upd, a, prev_a)

    @pl.when(k == NKT - 1)
    def _():
        out_ref[...] = arg_s[...]


def _vq_argmin(y3, embT, s, t):
    return pl.pallas_call(
        _vq_argmin_body,
        grid=(NTT, NKT),
        in_specs=[
            pl.BlockSpec((TOK_TILE, CDIM), lambda i, k: (i, 0)),
            pl.BlockSpec((CDIM, K_TILE), lambda i, k: (0, k)),
            pl.BlockSpec((1, CDIM), lambda i, k: (0, 0)),
            pl.BlockSpec((1, CDIM), lambda i, k: (0, 0)),
        ],
        out_specs=[
            pl.BlockSpec((TOK_TILE, 1), lambda i, k: (i, 0)),
            pl.BlockSpec((TOK_TILE, CDIM), lambda i, k: (i, 0)),
        ],
        out_shape=[
            jax.ShapeDtypeStruct((NTOK, 1), jnp.int32),
            jax.ShapeDtypeStruct((NTOK, CDIM), jnp.float32),
        ],
        scratch_shapes=[
            pltpu.VMEM((TOK_TILE, 1), jnp.float32),
            pltpu.VMEM((TOK_TILE, 1), jnp.int32),
        ],
    )(y3, embT, s.reshape(1, CDIM), t.reshape(1, CDIM))



def _gather_body(table_hbm, idx_hbm, out_hbm, idx_v, rows_v, sem):
    wid = lax.axis_index("s") * 2 + lax.axis_index("c")
    pltpu.sync_copy(idx_hbm.at[wid], idx_v)
    for c in range(NCHUNK):
        pltpu.async_copy(table_hbm.at[idx_v.at[c]],
                         rows_v.at[pl.ds(c * GCHUNK, GCHUNK)], sem).wait()
    pltpu.sync_copy(rows_v, out_hbm.at[wid])


def _sc_gather(emb, idx3d):
    mesh = plsc.VectorSubcoreMesh(core_axis_name="c", subcore_axis_name="s")
    fn = functools.partial(
        pl.kernel,
        out_type=jax.ShapeDtypeStruct((NW, B_PER_W, GDIM), jnp.float32),
        mesh=mesh,
        scratch_types=[
            pltpu.VMEM((NCHUNK, GCHUNK), jnp.int32),
            pltpu.VMEM((B_PER_W, GDIM), jnp.float32),
            pltpu.SemaphoreType.DMA,
        ],
    )(_gather_body)
    return fn(emb, idx3d)



def _loss_body(c_ref, z_ref, out_ref, st_ref):
    c = c_ref[...]
    z = z_ref[...]
    diff = c - z
    out_ref[0, 0] = jnp.sum(diff * diff)
    st_ref[...] = z + (c - z)


def _loss_sum(codes, zf):
    return pl.pallas_call(
        _loss_body,
        in_specs=[
            pl.BlockSpec(memory_space=pltpu.VMEM),
            pl.BlockSpec(memory_space=pltpu.VMEM),
        ],
        out_specs=[
            pl.BlockSpec(memory_space=pltpu.SMEM),
            pl.BlockSpec(memory_space=pltpu.VMEM),
        ],
        out_shape=[
            jax.ShapeDtypeStruct((1, 1), jnp.float32),
            jax.ShapeDtypeStruct((NTOK, CDIM), jnp.float32),
        ],
    )(codes, zf)



def _im2col_s2(xp, k, out):
    B, _, _, C = xp.shape
    cols = [xp[:, ky:ky + 2 * out - 1:2, kx:kx + 2 * out - 1:2, :].reshape(-1, C)
            for ky in range(k) for kx in range(k)]
    return jnp.concatenate(cols, axis=1)


def _conv(x, W, stride, padding):
    return lax.conv_general_dilated(x, W, (stride, stride), [(padding, padding)] * 2,
                                    dimension_numbers=('NCHW', 'OIHW', 'NCHW'))


def _batchnorm(x, gamma, beta):
    mean = jnp.mean(x, axis=(0, 2, 3), keepdims=True)
    var = jnp.var(x, axis=(0, 2, 3), keepdims=True)
    xn = (x - mean) / jnp.sqrt(var + EPS)
    return xn * gamma.reshape(1, -1, 1, 1) + beta.reshape(1, -1, 1, 1)


def _conv_transpose(x, W, stride, padding):
    k = W.shape[2]
    Wf = W[:, :, ::-1, ::-1]
    Wt = jnp.transpose(Wf, (1, 0, 2, 3))
    pad = k - 1 - padding
    return lax.conv_general_dilated(x, Wt, (1, 1), [(pad, pad)] * 2,
                                    lhs_dilation=(stride, stride),
                                    dimension_numbers=('NCHW', 'OIHW', 'NCHW'))


def kernel(x, params):
    emb = params['emb']

    h = jax.nn.relu(_batchnorm(_conv(x, params['We1'], 2, 1), params['g1'], params['b1']))
    h = jax.nn.relu(_batchnorm(_conv(h, params['We2'], 2, 1), params['g2'], params['b2']))
    z = jax.nn.relu(_batchnorm(_conv(h, params['We3'], 2, 1), params['g3'], params['b3']))
    y3 = jnp.transpose(z, (0, 2, 3, 1)).reshape(-1, CDIM)

    ones64 = jnp.ones(CDIM, jnp.float32)
    closest2d, zf = _vq_argmin(y3, emb.T, ones64, jnp.zeros(CDIM, jnp.float32))
    closest = closest2d[:, 0]
    latents = jnp.transpose(zf.reshape(8, 28, 28, 64), (0, 3, 1, 2))

    idx3d = jnp.concatenate([closest, jnp.zeros(NTOK_PAD - NTOK, jnp.int32)]
                            ).reshape(NW, NCHUNK, GCHUNK)
    emb_pad = jnp.pad(emb, ((0, 0), (0, GDIM - CDIM)))
    codes = _sc_gather(emb_pad, idx3d).reshape(NTOK_PAD, GDIM)[:NTOK, :CDIM]

    lsum, codes_st = _loss_sum(codes, zf)
    loss = lsum[0, 0] / (NTOK * CDIM)
    codes4 = jnp.transpose(codes_st.reshape(8, 28, 28, 64), (0, 3, 1, 2))

    d = jax.nn.relu(_batchnorm(_conv_transpose(codes4, params['Wd1'], 2, 0), params['g4'], params['b4']))
    d = jax.nn.relu(_batchnorm(_conv_transpose(d, params['Wd2'], 2, 1), params['g5'], params['b5']))
    decoded = jax.nn.sigmoid(_conv_transpose(d, params['Wd3'], 2, 1) + params['bd3'].reshape(1, -1, 1, 1))
    return (latents, codes4, decoded, loss, loss)

# --- scband reference (transcript-rebuilt; emitter-appended) ---
"""Pipeline reference for scband-convolutional-vector-quantized-vae-28698971472439 (READ-ONLY COPY).

The authoritative reference and input builder live on the scoring server;
editing this copy changes nothing except your own understanding.
"""

import jax, jax.numpy as jnp
import numpy as np

EPS = 1e-5
K = 8192

def conv(x, W, stride, padding):
    return jax.lax.conv_general_dilated(x, W, (stride, stride), [(padding, padding)] * 2,
                                        dimension_numbers=('NCHW', 'OIHW', 'NCHW'))

def conv_transpose(x, W, stride, padding):
    # W: [in, out, k, k] (torch ConvTranspose2d layout)
    k = W.shape[2]
    Wf = W[:, :, ::-1, ::-1]
    Wt = jnp.transpose(Wf, (1, 0, 2, 3))  # [out, in, k, k]
    pad = k - 1 - padding
    return jax.lax.conv_general_dilated(x, Wt, (1, 1), [(pad, pad)] * 2,
                                        lhs_dilation=(stride, stride),
                                        dimension_numbers=('NCHW', 'OIHW', 'NCHW'))

def batchnorm(x, gamma, beta):
    mean = jnp.mean(x, axis=(0, 2, 3), keepdims=True)
    var = jnp.var(x, axis=(0, 2, 3), keepdims=True)
    xn = (x - mean) / jnp.sqrt(var + EPS)
    return xn * gamma.reshape(1, -1, 1, 1) + beta.reshape(1, -1, 1, 1)

def setup_inputs(seed: int = 0) -> dict:
    key = jax.random.key(seed)
    ks = jax.random.split(key, 10)
    x = jax.random.uniform(ks[0], (8, 3, 224, 224), dtype=jnp.float32)
    params = {
        'We1': jax.random.normal(ks[1], (8, 3, 5, 5), dtype=jnp.float32) * 0.05,
        'g1': jnp.ones(8, jnp.float32), 'b1': jnp.zeros(8, jnp.float32),
        'We2': jax.random.normal(ks[2], (16, 8, 3, 3), dtype=jnp.float32) * 0.05,
        'g2': jnp.ones(16, jnp.float32), 'b2': jnp.zeros(16, jnp.float32),
        'We3': jax.random.normal(ks[3], (64, 16, 3, 3), dtype=jnp.float32) * 0.05,
        'g3': jnp.ones(64, jnp.float32), 'b3': jnp.zeros(64, jnp.float32),
        'emb': jax.random.uniform(ks[4], (K, 64), dtype=jnp.float32, minval=-1.0 / K, maxval=1.0 / K),
        'Wd1': jax.random.normal(ks[5], (64, 16, 3, 3), dtype=jnp.float32) * 0.05,
        'g4': jnp.ones(16, jnp.float32), 'b4': jnp.zeros(16, jnp.float32),
        'Wd2': jax.random.normal(ks[6], (16, 8, 3, 3), dtype=jnp.float32) * 0.05,
        'g5': jnp.ones(8, jnp.float32), 'b5': jnp.zeros(8, jnp.float32),
        'Wd3': jax.random.normal(ks[7], (8, 3, 2, 2), dtype=jnp.float32) * 0.05,
        'bd3': jnp.zeros(3, jnp.float32),
    }
    return {'x': x, 'params': params}

def reference(x, params):
    # encoder
    h = jax.nn.relu(batchnorm(conv(x, params['We1'], 2, 1), params['g1'], params['b1']))
    h = jax.nn.relu(batchnorm(conv(h, params['We2'], 2, 1), params['g2'], params['b2']))
    z = jax.nn.relu(batchnorm(conv(h, params['We3'], 2, 1), params['g3'], params['b3']))
    latents = z
    B, C, H, W = z.shape
    zf = jnp.transpose(z, (0, 2, 3, 1)).reshape(-1, C)
    emb = params['emb']
    # efficient VQ distances
    L2 = jnp.sum(zf ** 2, axis=1, keepdims=True)
    C2 = jnp.sum(emb ** 2, axis=1)[None, :]
    CL = zf @ emb.T
    distances = L2 - 2.0 * CL + C2
    closest = jnp.argmin(distances, axis=-1)
    onehot = jax.nn.one_hot(closest, K, dtype=zf.dtype)
    codes = onehot @ emb
    codebook_loss = jnp.mean((codes - jax.lax.stop_gradient(zf)) ** 2)
    commitment_loss = jnp.mean((jax.lax.stop_gradient(codes) - zf) ** 2)
    codes = zf + jax.lax.stop_gradient(codes - zf)
    codes4 = jnp.transpose(codes.reshape(B, H, W, C), (0, 3, 1, 2))
    # decoder
    d = jax.nn.relu(batchnorm(conv_transpose(codes4, params['Wd1'], 2, 0), params['g4'], params['b4']))
    d = jax.nn.relu(batchnorm(conv_transpose(d, params['Wd2'], 2, 1), params['g5'], params['b5']))
    decoded = jax.nn.sigmoid(conv_transpose(d, params['Wd3'], 2, 1) + params['bd3'].reshape(1, -1, 1, 1))
    return (latents, codes4, decoded, codebook_loss, commitment_loss)

if __name__ == "__main__":
    import jax
    _d = setup_inputs()
    print(jax.jit(kernel)(*tuple(_d.values())))

</pallas_src>

<mosaic_0001>
#map = affine_map<(d0, d1) -> (0, 0)>
#map1 = affine_map<(d0, d1) -> (0, 0, 0)>
module attributes {stable_mosaic.version = 14 : i64} {
  func.func @_gather_body(%arg0: i32, %arg1: i32, %arg2: memref<8192x128xf32, #tpu.memory_space<hbm>>, %arg3: memref<32x2x100xi32, #tpu.memory_space<hbm>>, %arg4: memref<32x200x128xf32, #tpu.memory_space<hbm>>, %arg5: memref<2x100xi32, #tpu.memory_space<vmem>>, %arg6: memref<200x128xf32, #tpu.memory_space<vmem>>, %arg7: memref<!tpu.dma_semaphore, #tpu.memory_space<semaphore_mem>>) attributes {dimension_semantics = [#tpu.dimension_semantics<core_parallel>, #tpu.dimension_semantics<subcore_parallel>], iteration_bounds = array<i64: 2, 16>, scalar_prefetch = 0 : i64, scratch_operands = 3 : i64, tpu.core_type = #tpu.core_type<sc_vector_subcore>, window_params = [{transform_indices = #map}, {transform_indices = #map1}, {transform_indices = #map1}]} {
    %mul3A = arith.constant 2 : i32
    %mul3A_0 = arith.muli %arg1, %mul3A : i32
    %add3A = arith.addi %mul3A_0, %arg0 : i32
    "tpu.region"() ({
      %run_scoped3A = tpu.sem_alloc : memref<!tpu.dma_semaphore, #tpu.memory_space<semaphore_mem>>
      %dma_start3A_39 = arith.constant 0 : i32
      %dma_start3A_40 = arith.constant 0 : i32
      %dma_start3A_41 = tpu.memref_slice %arg3[%add3A, %dma_start3A_39, %dma_start3A_40] : memref<32x2x100xi32, #tpu.memory_space<hbm>> -> memref<1x2x100xi32, #tpu.memory_space<hbm>>
      %dma_start3A_42 = tpu.memref_squeeze %dma_start3A_41 : memref<1x2x100xi32, #tpu.memory_space<hbm>> -> memref<2x100xi32, #tpu.memory_space<hbm>>
      %dma_start3A_43 = arith.constant 0 : i32
      %dma_start3A_44 = arith.constant 0 : i32
      %dma_start3A_45 = tpu.memref_slice %arg3[%add3A, %dma_start3A_43, %dma_start3A_44] : memref<32x2x100xi32, #tpu.memory_space<hbm>> -> memref<1x2x100xi32, #tpu.memory_space<hbm>>
      %dma_start3A_46 = tpu.memref_squeeze %dma_start3A_45 : memref<1x2x100xi32, #tpu.memory_space<hbm>> -> memref<2x100xi32, #tpu.memory_space<hbm>>
      tpu.enqueue_dma source(%dma_start3A_46 : memref<2x100xi32, #tpu.memory_space<hbm>>) target(%arg5 : memref<2x100xi32, #tpu.memory_space<vmem>>) target_semaphore(%run_scoped3A : memref<!tpu.dma_semaphore, #tpu.memory_space<semaphore_mem>>)
      %dma_wait3A_47 = arith.constant 0 : i32
      %dma_wait3A_48 = arith.constant 0 : i32
      %dma_wait3A_49 = tpu.memref_slice %arg3[%add3A, %dma_wait3A_47, %dma_wait3A_48] : memref<32x2x100xi32, #tpu.memory_space<hbm>> -> memref<1x2x100xi32, #tpu.memory_space<hbm>>
      %dma_wait3A_50 = tpu.memref_squeeze %dma_wait3A_49 : memref<1x2x100xi32, #tpu.memory_space<hbm>> -> memref<2x100xi32, #tpu.memory_space<hbm>>
      %dma_wait3A_51 = arith.constant 0 : i32
      %dma_wait3A_52 = arith.constant 0 : i32
      %dma_wait3A_53 = tpu.memref_slice %arg3[%add3A, %dma_wait3A_51, %dma_wait3A_52] : memref<32x2x100xi32, #tpu.memory_space<hbm>> -> memref<1x2x100xi32, #tpu.memory_space<hbm>>
      %dma_wait3A_54 = tpu.memref_squeeze %dma_wait3A_53 : memref<1x2x100xi32, #tpu.memory_space<hbm>> -> memref<2x100xi32, #tpu.memory_space<hbm>>
      tpu.wait_dma2 semaphore(%run_scoped3A : memref<!tpu.dma_semaphore, #tpu.memory_space<semaphore_mem>>) src(%dma_wait3A_54 : memref<2x100xi32, #tpu.memory_space<hbm>>) dst(%arg5 : memref<2x100xi32, #tpu.memory_space<vmem>>)
      tpu.yield
    }) : () -> ()
    %dma_start3A = arith.constant 0 : i32
    %dma_start3A_1 = arith.constant 0 : i32
    %dma_start3A_2 = arith.constant 0 : i32
    %dma_start3A_3 = tpu.memref_slice %arg6[%dma_start3A_1, %dma_start3A_2] : memref<200x128xf32, #tpu.memory_space<vmem>> -> memref<100x128xf32, #tpu.memory_space<vmem>>
    %dma_start3A_4 = arith.constant 0 : i32
    %dma_start3A_5 = tpu.memref_slice %arg5[%dma_start3A, %dma_start3A_4] : memref<2x100xi32, #tpu.memory_space<vmem>> -> memref<1x100xi32, #tpu.memory_space<vmem>>
    %dma_start3A_6 = tpu.memref_squeeze %dma_start3A_5 : memref<1x100xi32, #tpu.memory_space<vmem>> -> memref<100xi32, #tpu.memory_space<vmem>>
    %dma_start3A_7 = arith.constant 0 : i32
    %dma_start3A_8 = arith.constant 0 : i32
    %dma_start3A_9 = tpu.memref_slice %arg2[%dma_start3A_7, %dma_start3A_8] : memref<8192x128xf32, #tpu.memory_space<hbm>> -> memref<8192x128xf32, #tpu.memory_space<hbm>>
    tpu.enqueue_indirect_dma source(%dma_start3A_9 : memref<8192x128xf32, #tpu.memory_space<hbm>>) target(%dma_start3A_3 : memref<100x128xf32, #tpu.memory_space<vmem>>) offsets(%dma_start3A_6 : memref<100xi32, #tpu.memory_space<vmem>>) semaphore(%arg7 : memref<!tpu.dma_semaphore, #tpu.memory_space<semaphore_mem>>)
    %dma_wait3A = arith.constant 0 : i32
    %dma_wait3A_10 = arith.constant 0 : i32
    %dma_wait3A_11 = arith.constant 0 : i32
    %dma_wait3A_12 = tpu.memref_slice %arg6[%dma_wait3A_10, %dma_wait3A_11] : memref<200x128xf32, #tpu.memory_space<vmem>> -> memref<100x128xf32, #tpu.memory_space<vmem>>
    %dma_wait3A_13 = arith.constant 0 : i32
    %dma_wait3A_14 = tpu.memref_slice %arg5[%dma_wait3A, %dma_wait3A_13] : memref<2x100xi32, #tpu.memory_space<vmem>> -> memref<1x100xi32, #tpu.memory_space<vmem>>
    %dma_wait3A_15 = tpu.memref_squeeze %dma_wait3A_14 : memref<1x100xi32, #tpu.memory_space<vmem>> -> memref<100xi32, #tpu.memory_space<vmem>>
    %dma_wait3A_16 = arith.constant 0 : i32
    %dma_wait3A_17 = arith.constant 0 : i32
    %dma_wait3A_18 = tpu.memref_slice %arg2[%dma_wait3A_16, %dma_wait3A_17] : memref<8192x128xf32, #tpu.memory_space<hbm>> -> memref<8192x128xf32, #tpu.memory_space<hbm>>
    tpu.wait_indirect_dma semaphore(%arg7 : memref<!tpu.dma_semaphore, #tpu.memory_space<semaphore_mem>>) src(%dma_wait3A_18 : memref<8192x128xf32, #tpu.memory_space<hbm>>) dst(%dma_wait3A_12 : memref<100x128xf32, #tpu.memory_space<vmem>>)
    %dma_start3A_19 = arith.constant 1 : i32
    %dma_start3A_20 = arith.constant 100 : i32
    %dma_start3A_21 = arith.constant 0 : i32
    %dma_start3A_22 = tpu.memref_slice %arg6[%dma_start3A_20, %dma_start3A_21] : memref<200x128xf32, #tpu.memory_space<vmem>> -> memref<100x128xf32, #tpu.memory_space<vmem>>
    %dma_start3A_23 = arith.constant 0 : i32
    %dma_start3A_24 = tpu.memref_slice %arg5[%dma_start3A_19, %dma_start3A_23] : memref<2x100xi32, #tpu.memory_space<vmem>> -> memref<1x100xi32, #tpu.memory_space<vmem>>
    %dma_start3A_25 = tpu.memref_squeeze %dma_start3A_24 : memref<1x100xi32, #tpu.memory_space<vmem>> -> memref<100xi32, #tpu.memory_space<vmem>>
    %dma_start3A_26 = arith.constant 0 : i32
    %dma_start3A_27 = arith.constant 0 : i32
    %dma_start3A_28 = tpu.memref_slice %arg2[%dma_start3A_26, %dma_start3A_27] : memref<8192x128xf32, #tpu.memory_space<hbm>> -> memref<8192x128xf32, #tpu.memory_space<hbm>>
    tpu.enqueue_indirect_dma source(%dma_start3A_28 : memref<8192x128xf32, #tpu.memory_space<hbm>>) target(%dma_start3A_22 : memref<100x128xf32, #tpu.memory_space<vmem>>) offsets(%dma_start3A_25 : memref<100xi32, #tpu.memory_space<vmem>>) semaphore(%arg7 : memref<!tpu.dma_semaphore, #tpu.memory_space<semaphore_mem>>)
    %dma_wait3A_29 = arith.constant 1 : i32
    %dma_wait3A_30 = arith.constant 100 : i32
    %dma_wait3A_31 = arith.constant 0 : i32
    %dma_wait3A_32 = tpu.memref_slice %arg6[%dma_wait3A_30, %dma_wait3A_31] : memref<200x128xf32, #tpu.memory_space<vmem>> -> memref<100x128xf32, #tpu.memory_space<vmem>>
    %dma_wait3A_33 = arith.constant 0 : i32
    %dma_wait3A_34 = tpu.memref_slice %arg5[%dma_wait3A_29, %dma_wait3A_33] : memref<2x100xi32, #tpu.memory_space<vmem>> -> memref<1x100xi32, #tpu.memory_space<vmem>>
    %dma_wait3A_35 = tpu.memref_squeeze %dma_wait3A_34 : memref<1x100xi32, #tpu.memory_space<vmem>> -> memref<100xi32, #tpu.memory_space<vmem>>
    %dma_wait3A_36 = arith.constant 0 : i32
    %dma_wait3A_37 = arith.constant 0 : i32
    %dma_wait3A_38 = tpu.memref_slice %arg2[%dma_wait3A_36, %dma_wait3A_37] : memref<8192x128xf32, #tpu.memory_space<hbm>> -> memref<8192x128xf32, #tpu.memory_space<hbm>>
    tpu.wait_indirect_dma semaphore(%arg7 : memref<!tpu.dma_semaphore, #tpu.memory_space<semaphore_mem>>) src(%dma_wait3A_38 : memref<8192x128xf32, #tpu.memory_space<hbm>>) dst(%dma_wait3A_32 : memref<100x128xf32, #tpu.memory_space<vmem>>)
    "tpu.region"() ({
      %run_scoped3A = tpu.sem_alloc : memref<!tpu.dma_semaphore, #tpu.memory_space<semaphore_mem>>
      %dma_start3A_39 = arith.constant 0 : i32
      %dma_start3A_40 = arith.constant 0 : i32
      %dma_start3A_41 = tpu.memref_slice %arg4[%add3A, %dma_start3A_39, %dma_start3A_40] : memref<32x200x128xf32, #tpu.memory_space<hbm>> -> memref<1x200x128xf32, #tpu.memory_space<hbm>>
      %dma_start3A_42 = tpu.memref_squeeze %dma_start3A_41 : memref<1x200x128xf32, #tpu.memory_space<hbm>> -> memref<200x128xf32, #tpu.memory_space<hbm>>
      %dma_start3A_43 = arith.constant 0 : i32
      %dma_start3A_44 = arith.constant 0 : i32
      %dma_start3A_45 = tpu.memref_slice %arg4[%add3A, %dma_start3A_43, %dma_start3A_44] : memref<32x200x128xf32, #tpu.memory_space<hbm>> -> memref<1x200x128xf32, #tpu.memory_space<hbm>>
      %dma_start3A_46 = tpu.memref_squeeze %dma_start3A_45 : memref<1x200x128xf32, #tpu.memory_space<hbm>> -> memref<200x128xf32, #tpu.memory_space<hbm>>
      tpu.enqueue_dma source(%arg6 : memref<200x128xf32, #tpu.memory_space<vmem>>) target(%dma_start3A_46 : memref<200x128xf32, #tpu.memory_space<hbm>>) target_semaphore(%run_scoped3A : memref<!tpu.dma_semaphore, #tpu.memory_space<semaphore_mem>>)
      %dma_wait3A_47 = arith.constant 0 : i32
      %dma_wait3A_48 = arith.constant 0 : i32
      %dma_wait3A_49 = tpu.memref_slice %arg4[%add3A, %dma_wait3A_47, %dma_wait3A_48] : memref<32x200x128xf32, #tpu.memory_space<hbm>> -> memref<1x200x128xf32, #tpu.memory_space<hbm>>
      %dma_wait3A_50 = tpu.memref_squeeze %dma_wait3A_49 : memref<1x200x128xf32, #tpu.memory_space<hbm>> -> memref<200x128xf32, #tpu.memory_space<hbm>>
      %dma_wait3A_51 = arith.constant 0 : i32
      %dma_wait3A_52 = arith.constant 0 : i32
      %dma_wait3A_53 = tpu.memref_slice %arg4[%add3A, %dma_wait3A_51, %dma_wait3A_52] : memref<32x200x128xf32, #tpu.memory_space<hbm>> -> memref<1x200x128xf32, #tpu.memory_space<hbm>>
      %dma_wait3A_54 = tpu.memref_squeeze %dma_wait3A_53 : memref<1x200x128xf32, #tpu.memory_space<hbm>> -> memref<200x128xf32, #tpu.memory_space<hbm>>
      tpu.wait_dma2 semaphore(%run_scoped3A : memref<!tpu.dma_semaphore, #tpu.memory_space<semaphore_mem>>) src(%arg6 : memref<200x128xf32, #tpu.memory_space<vmem>>) dst(%dma_wait3A_54 : memref<200x128xf32, #tpu.memory_space<hbm>>)
      tpu.yield
    }) : () -> ()
    return
  }
}

module attributes {stable_mosaic.version = 14 : i64} {
  func.func @_vq_argmin_body(%arg0: i32, %arg1: i32, %arg2: memref<448x64xf32, #tpu.memory_space<vmem>>, %arg3: memref<64x2048xf32, #tpu.memory_space<vmem>>, %arg4: memref<1x64xf32, #tpu.memory_space<vmem>>, %arg5: memref<1x64xf32, #tpu.memory_space<vmem>>, %arg6: memref<448x1xi32, #tpu.memory_space<vmem>>, %arg7: memref<448x64xf32, #tpu.memory_space<vmem>>, %arg8: memref<448x1xf32, #tpu.memory_space<vmem>>, %arg9: memref<448x1xi32, #tpu.memory_space<vmem>>) attributes {dimension_semantics = [#tpu.dimension_semantics<arbitrary>, #tpu.dimension_semantics<arbitrary>], iteration_bounds = array<i64: 14, 4>, scalar_prefetch = 0 : i64, scratch_operands = 2 : i64, tpu.core_type = #tpu.core_type<tc>, window_params = [{transform_indices = @transform_0, window_bounds = array<i64: 448, 64>}, {transform_indices = @transform_1, window_bounds = array<i64: 64, 2048>}, {pipeline_mode = #tpu.pipeline_mode<synchronous>, transform_indices = @transform_2, window_bounds = array<i64: 1, 64>}, {pipeline_mode = #tpu.pipeline_mode<synchronous>, transform_indices = @transform_3, window_bounds = array<i64: 1, 64>}, {transform_indices = @transform_4, window_bounds = array<i64: 448, 1>}, {transform_indices = @transform_5, window_bounds = array<i64: 448, 64>}]} {
    %get3A = arith.constant 0 : index
    %get3A_0 = arith.constant 0 : index
    %get3A_1 = vector.load %arg2[%get3A, %get3A_0] : memref<448x64xf32, #tpu.memory_space<vmem>>, vector<448x64xf32>
    %get3A_2 = arith.constant 0 : index
    %get3A_3 = arith.constant 0 : index
    %get3A_4 = vector.load %arg4[%get3A_2, %get3A_3] : memref<1x64xf32, #tpu.memory_space<vmem>>, vector<1x64xf32>
    %mul3A = vector.broadcast %get3A_4 : vector<1x64xf32> to vector<448x64xf32>
    %mul3A_5 = arith.mulf %get3A_1, %mul3A : vector<448x64xf32>
    %get3A_6 = arith.constant 0 : index
    %get3A_7 = arith.constant 0 : index
    %get3A_8 = vector.load %arg5[%get3A_6, %get3A_7] : memref<1x64xf32, #tpu.memory_space<vmem>>, vector<1x64xf32>
    %add3A = vector.broadcast %get3A_8 : vector<1x64xf32> to vector<448x64xf32>
    %add3A_9 = arith.addf %mul3A_5, %add3A : vector<448x64xf32>
    %max3A = arith.constant 0.000000e+00 : f32
    %max3A_10 = vector.broadcast %max3A : f32 to vector<448x64xf32>
    %max3A_11 = arith.maximumf %add3A_9, %max3A_10 : vector<448x64xf32>
    %get3A_12 = arith.constant 0 : index
    %get3A_13 = arith.constant 0 : index
    %get3A_14 = vector.load %arg3[%get3A_12, %get3A_13] : memref<64x2048xf32, #tpu.memory_space<vmem>>, vector<64x2048xf32>
    %dot_general3A = arith.constant dense<0.000000e+00> : vector<448x2048xf32>
    %dot_general3A_15 = tpu.matmul %max3A_11, %get3A_14, %dot_general3A {dimension_numbers = #tpu.dot_dimension_numbers<[1], [0], [0], [1], [0, 0, 1, 1], [], []>, transpose_lhs_hint = false} : vector<448x64xf32>, vector<64x2048xf32>, vector<448x2048xf32> -> vector<448x2048xf32>
    %mul3A_16 = arith.mulf %max3A_11, %max3A_11 : vector<448x64xf32>
    %reduce_sum3A = arith.constant dense<0.000000e+00> : vector<448xf32>
    %reduce_sum3A_17 = vector.multi_reduction <add>, %mul3A_16, %reduce_sum3A [1] : vector<448x64xf32> to vector<448xf32>
    %broadcast_in_dim3A = vector.shape_cast %reduce_sum3A_17 : vector<448xf32> to vector<448x1xf32>
    %mul3A_18 = arith.mulf %get3A_14, %get3A_14 : vector<64x2048xf32>
    %reduce_sum3A_19 = arith.constant dense<0.000000e+00> : vector<2048xf32>
    %reduce_sum3A_20 = vector.multi_reduction <add>, %mul3A_18, %reduce_sum3A_19 [0] : vector<64x2048xf32> to vector<2048xf32>
    %broadcast_in_dim3A_21 = vector.shape_cast %reduce_sum3A_20 : vector<2048xf32> to vector<1x2048xf32>
    %mul3A_22 = arith.constant 2.000000e+00 : f32
    %mul3A_23 = vector.broadcast %mul3A_22 : f32 to vector<448x2048xf32>
    %mul3A_24 = arith.mulf %mul3A_23, %dot_general3A_15 : vector<448x2048xf32>
    %sub3A = vector.broadcast %broadcast_in_dim3A : vector<448x1xf32> to vector<448x2048xf32>
    %sub3A_25 = arith.subf %sub3A, %mul3A_24 : vector<448x2048xf32>
    %add3A_26 = vector.broadcast %broadcast_in_dim3A_21 : vector<1x2048xf32> to vector<448x2048xf32>
    %add3A_27 = arith.addf %sub3A_25, %add3A_26 : vector<448x2048xf32>
    %reduce_min3A = arith.constant dense<0x7F800000> : vector<448xf32>
    %reduce_min3A_28 = vector.multi_reduction <minimumf>, %add3A_27, %reduce_min3A [1] : vector<448x2048xf32> to vector<448xf32>
    %broadcast_in_dim3A_29 = vector.shape_cast %reduce_min3A_28 : vector<448xf32> to vector<448x1xf32>
    %iota3A = tpu.iota {dimensions = array<i32: 1>} : vector<448x2048xi32>
    %mul3A_30 = arith.constant 2048 : i32
    %mul3A_31 = arith.muli %arg1, %mul3A_30 : i32
    %add3A_32 = vector.broadcast %mul3A_31 : i32 to vector<448x2048xi32>
    %add3A_33 = arith.addi %iota3A, %add3A_32 : vector<448x2048xi32>
    %eq3A = vector.broadcast %broadcast_in_dim3A_29 : vector<448x1xf32> to vector<448x2048xf32>
    %eq3A_34 = arith.cmpf oeq, %add3A_27, %eq3A : vector<448x2048xf32>
    %jit3A = arith.constant 8192 : i32
    %broadcast_in_dim3A_35 = vector.broadcast %jit3A : i32 to vector<448x2048xi32>
    %select_n3A = arith.select %eq3A_34, %add3A_33, %broadcast_in_dim3A_35 : vector<448x2048xi1>, vector<448x2048xi32>
    %reduce_min3A_36 = arith.constant dense<2147483647> : vector<448xi32>
    %reduce_min3A_37 = vector.multi_reduction <minsi>, %select_n3A, %reduce_min3A_36 [1] : vector<448x2048xi32> to vector<448xi32>
    %broadcast_in_dim3A_38 = vector.shape_cast %reduce_min3A_37 : vector<448xi32> to vector<448x1xi32>
    %eq3A_39 = arith.constant 0 : i32
    %eq3A_40 = arith.cmpi eq, %arg1, %eq3A_39 : i32
    %convert_element_type3A = arith.extui %eq3A_40 : i1 to i32
    %cond3A = arith.constant 0 : i32
    %cond3A_41 = arith.cmpi ne, %convert_element_type3A, %cond3A : i32
    scf.if %cond3A_41 {
      %swap3A = arith.constant 0 : index
      %swap3A_51 = arith.constant 0 : index
      %swap3A_52 = vector.load %arg7[%swap3A, %swap3A_51] : memref<448x64xf32, #tpu.memory_space<vmem>>, vector<448x64xf32>
      tpu.vector_store %arg7[%swap3A, %swap3A_51], %max3A_11 {strides = array<i32>} : memref<448x64xf32, #tpu.memory_space<vmem>>, vector<448x64xf32>,
      %swap3A_53 = arith.constant 0 : index
      %swap3A_54 = arith.constant 0 : index
      %swap3A_55 = vector.load %arg8[%swap3A_53, %swap3A_54] : memref<448x1xf32, #tpu.memory_space<vmem>>, vector<448x1xf32>
      tpu.vector_store %arg8[%swap3A_53, %swap3A_54], %broadcast_in_dim3A_29 {strides = array<i32>} : memref<448x1xf32, #tpu.memory_space<vmem>>, vector<448x1xf32>,
      %swap3A_56 = arith.constant 0 : index
      %swap3A_57 = arith.constant 0 : index
      %swap3A_58 = vector.load %arg9[%swap3A_56, %swap3A_57] : memref<448x1xi32, #tpu.memory_space<vmem>>, vector<448x1xi32>
      tpu.vector_store %arg9[%swap3A_56, %swap3A_57], %broadcast_in_dim3A_38 {strides = array<i32>} : memref<448x1xi32, #tpu.memory_space<vmem>>, vector<448x1xi32>,
    } else {
    }
    %gt3A = arith.constant 0 : i32
    %gt3A_42 = arith.cmpi sgt, %arg1, %gt3A : i32
    %convert_element_type3A_43 = arith.extui %gt3A_42 : i1 to i32
    %cond3A_44 = arith.constant 0 : i32
    %cond3A_45 = arith.cmpi ne, %convert_element_type3A_43, %cond3A_44 : i32
    scf.if %cond3A_45 {
      %get3A_51 = arith.constant 0 : index
      %get3A_52 = arith.constant 0 : index
      %get3A_53 = vector.load %arg8[%get3A_51, %get3A_52] : memref<448x1xf32, #tpu.memory_space<vmem>>, vector<448x1xf32>
      %get3A_54 = arith.constant 0 : index
      %get3A_55 = arith.constant 0 : index
      %get3A_56 = vector.load %arg9[%get3A_54, %get3A_55] : memref<448x1xi32, #tpu.memory_space<vmem>>, vector<448x1xi32>
      %lt3A = arith.cmpf olt, %broadcast_in_dim3A_29, %get3A_53 : vector<448x1xf32>
      %select_n3A_57 = arith.select %lt3A, %broadcast_in_dim3A_29, %get3A_53 : vector<448x1xi1>, vector<448x1xf32>
      %swap3A = arith.constant 0 : index
      %swap3A_58 = arith.constant 0 : index
      %swap3A_59 = vector.load %arg8[%swap3A, %swap3A_58] : memref<448x1xf32, #tpu.memory_space<vmem>>, vector<448x1xf32>
      tpu.vector_store %arg8[%swap3A, %swap3A_58], %select_n3A_57 {strides = array<i32>} : memref<448x1xf32, #tpu.memory_space<vmem>>, vector<448x1xf32>,
      %select_n3A_60 = arith.select %lt3A, %broadcast_in_dim3A_38, %get3A_56 : vector<448x1xi1>, vector<448x1xi32>
      %swap3A_61 = arith.constant 0 : index
      %swap3A_62 = arith.constant 0 : index
      %swap3A_63 = vector.load %arg9[%swap3A_61, %swap3A_62] : memref<448x1xi32, #tpu.memory_space<vmem>>, vector<448x1xi32>
      tpu.vector_store %arg9[%swap3A_61, %swap3A_62], %select_n3A_60 {strides = array<i32>} : memref<448x1xi32, #tpu.memory_space<vmem>>, vector<448x1xi32>,
    } else {
    }
    %eq3A_46 = arith.constant 3 : i32
    %eq3A_47 = arith.cmpi eq, %arg1, %eq3A_46 : i32
    %convert_element_type3A_48 = arith.extui %eq3A_47 : i1 to i32
    %cond3A_49 = arith.constant 0 : i32
    %cond3A_50 = arith.cmpi ne, %convert_element_type3A_48, %cond3A_49 : i32
    scf.if %cond3A_50 {
      %get3A_51 = arith.constant 0 : index
      %get3A_52 = arith.constant 0 : index
      %get3A_53 = vector.load %arg9[%get3A_51, %get3A_52] : memref<448x1xi32, #tpu.memory_space<vmem>>, vector<448x1xi32>
      %swap3A = arith.constant 0 : index
      %swap3A_54 = arith.constant 0 : index
      %swap3A_55 = vector.load %arg6[%swap3A, %swap3A_54] : memref<448x1xi32, #tpu.memory_space<vmem>>, vector<448x1xi32>
      tpu.vector_store %arg6[%swap3A, %swap3A_54], %get3A_53 {strides = array<i32>} : memref<448x1xi32, #tpu.memory_space<vmem>>, vector<448x1xi32>,
    } else {
    }
    return
  }
  func.func @transform_0(%arg0: i32, %arg1: i32) -> (i32, i32) {
    %c0_i32 = arith.constant 0 : i32
    %c0_i32_0 = arith.constant 0 : i32
    return %arg0, %c0_i32 : i32, i32
  }
  func.func @transform_1(%arg0: i32, %arg1: i32) -> (i32, i32) {
    %c0_i32 = arith.constant 0 : i32
    %c0_i32_0 = arith.constant 0 : i32
    return %c0_i32, %arg1 : i32, i32
  }
  func.func @transform_2(%arg0: i32, %arg1: i32) -> (i32, i32) {
    %c0_i32 = arith.constant 0 : i32
    %c0_i32_0 = arith.constant 0 : i32
    %c0_i32_1 = arith.constant 0 : i32
    return %c0_i32, %c0_i32_0 : i32, i32
  }
  func.func @transform_3(%arg0: i32, %arg1: i32) -> (i32, i32) {
    %c0_i32 = arith.constant 0 : i32
    %c0_i32_0 = arith.constant 0 : i32
    %c0_i32_1 = arith.constant 0 : i32
    return %c0_i32, %c0_i32_0 : i32, i32
  }
  func.func @transform_4(%arg0: i32, %arg1: i32) -> (i32, i32) {
    %c0_i32 = arith.constant 0 : i32
    %c0_i32_0 = arith.constant 0 : i32
    return %arg0, %c0_i32 : i32, i32
  }
  func.func @transform_5(%arg0: i32, %arg1: i32) -> (i32, i32) {
    %c0_i32 = arith.constant 0 : i32
    %c0_i32_0 = arith.constant 0 : i32
    return %arg0, %c0_i32 : i32, i32
  }
}

module attributes {stable_mosaic.version = 14 : i64} {
  func.func @_loss_body(%arg0: memref<6272x64xf32, #tpu.memory_space<vmem>>, %arg1: memref<6272x64xf32, #tpu.memory_space<vmem>>, %arg2: memref<1x1xf32, #tpu.memory_space<smem>>, %arg3: memref<6272x64xf32, #tpu.memory_space<vmem>>) attributes {dimension_semantics = [], scalar_prefetch = 0 : i64, scratch_operands = 0 : i64, tpu.core_type = #tpu.core_type<tc>} {
    %get3A = arith.constant 0 : index
    %get3A_0 = arith.constant 0 : index
    %get3A_1 = vector.load %arg0[%get3A, %get3A_0] : memref<6272x64xf32, #tpu.memory_space<vmem>>, vector<6272x64xf32>
    %get3A_2 = arith.constant 0 : index
    %get3A_3 = arith.constant 0 : index
    %get3A_4 = vector.load %arg1[%get3A_2, %get3A_3] : memref<6272x64xf32, #tpu.memory_space<vmem>>, vector<6272x64xf32>
    %sub3A = arith.subf %get3A_1, %get3A_4 : vector<6272x64xf32>
    %mul3A = arith.mulf %sub3A, %sub3A : vector<6272x64xf32>
    %reduce_sum3A = vector.shape_cast %mul3A : vector<6272x64xf32> to vector<1x6272x64xf32>
    %reduce_sum3A_5 = arith.constant dense<0.000000e+00> : vector<1xf32>
    %reduce_sum3A_6 = vector.multi_reduction <add>, %reduce_sum3A, %reduce_sum3A_5 [1, 2] : vector<1x6272x64xf32> to vector<1xf32>
    %reduce_sum3A_7 = vector.shape_cast %reduce_sum3A_6 : vector<1xf32> to vector<1x1x1xf32>
    %reduce_sum3A_8 = vector.extract %reduce_sum3A_7[0, 0, 0] : f32 from vector<1x1x1xf32>
    %swap3A = arith.constant 0 : index
    %swap3A_9 = arith.constant 0 : index
    %swap3A_10 = memref.load %arg2[%swap3A, %swap3A_9] : memref<1x1xf32, #tpu.memory_space<smem>>
    memref.store %reduce_sum3A_8, %arg2[%swap3A, %swap3A_9] : memref<1x1xf32, #tpu.memory_space<smem>>
    %sub3A_11 = arith.subf %get3A_1, %get3A_4 : vector<6272x64xf32>
    %add3A = arith.addf %get3A_4, %sub3A_11 : vector<6272x64xf32>
    %swap3A_12 = arith.constant 0 : index
    %swap3A_13 = arith.constant 0 : index
    %swap3A_14 = vector.load %arg3[%swap3A_12, %swap3A_13] : memref<6272x64xf32, #tpu.memory_space<vmem>>, vector<6272x64xf32>
    tpu.vector_store %arg3[%swap3A_12, %swap3A_13], %add3A {strides = array<i32>} : memref<6272x64xf32, #tpu.memory_space<vmem>>, vector<6272x64xf32>,
    return
  }
}

</mosaic_0001>

<sc_bundles>
// kernel: kernel.5.cloned.1.call-start
scs
__scs_entry_jumppad:
0x0: {  	(pc) =	sbr.rel $0x88, $3  }
0x1: {  	(tag) =	ssettag $0x0;
	lr =	simm.s32 $0x1  }
0x2: {  	[smem:$0x3F8E] =	sst lr;
	_ =	strace $0xD0000000  }
0x3: {  	_ = 	snop  }
0x4: {  	_ = 	snop  }
0x5: {  	_ = 	snop  }
0x6: {  	_ = 	snop  }
0x7: {  	_ = 	snop  }
__scs_overlays_trampoline_lowered:
0x8: {  	[smem:$0x3F9D] =	sst s0  }
0x9: {  	[smem:$0x3F9E] =	sst s1  }
0xa: {  	[smem:$0x3F9F] =	sst s2  }
0xb: {  	[smem:$0x3FA0] =	sst s3  }
0xc: {  	[smem:$0x3FA1] =	sst s4  }
0xd: {  	[smem:$0x3FA2] =	sst s5  }
0xe: {  	[smem:$0x3FA3] =	sst s6  }
0xf: {  	[smem:$0x3FA4] =	sst s7  }
0x10: {  	[smem:$0x3FA5] =	sst s8  }
0x11: {  	[smem:$0x3FA6] =	sst s9;
	s0 =	simm.s32 @!p0 $0x0  }
0x12: {  	s1 =	sld [smem:$0x3F8C];
	s0 =	simm.s32 @p0 $0x1  }
0x13: {  	[smem:$0x3FA7] =	sst s0;
	s0 =	simm.s32 @!p1 $0x0  }
0x14: {  	s2 =	sld [smem:$0x3F8B];
	s0 =	simm.s32 @p1 $0x1  }
0x15: {  	[smem:$0x3FA8] =	sst s0;
	s0 =	simm.s32 @!p2 $0x0  }
0x16: {  	s3 =	sld [smem:$0x3FDB];
	s0 =	simm.s32 @p2 $0x1  }
0x17: {  	s4 =	simm.s32 $0x1BF5;
	[smem:$0x3FAA] =	sst s0  }
0x18: {  	s0 =	sld [smem:$0x3F8D];
	_ =	swait.ge [sflag:s4], $0x0  }
0x19: {  	s7 =	sld [smem:$0x3F8E]  }
0x1a: {  	s8 =	sadd.s32 $0xFFFFE003, lr  }
0x1b: {  	s9 =	sadd.s32 $0xFFFFFEF7, lr;
	s5 =	simm.s32 $0xFFFFFFFF;
	p2 =	slt.u32 s8, $0xFFFFF086  }
0x1c: {  	p1 =	slt.u32 s9, $0xF7A;
	s5 =	simm.s32 @!p2 $0x0  }
0x1d: {  	s5 =	simm.s32 @p1 $0x1;
	p0 =	seq.s32 s7, s2  }
0x1e: {  	s7 =	smul.u32 @!p0 $0xF7A, s2;
	p2 =	seq.s32 @!p0 s5, $0x0  }
0x1f: {  	s9 =	smul.u32 $0xF7A, s1;
	s8 =	simm.s32 @!p0 $0x1BF5;
	p2 =	por !p2, p0  }
0x20: {  	[sflag:s8] =	ssyncset.s32 @!p0 $0xFFFFF086;
	s6 =	sadd.s32 @!p0 s3, s7;
	s7 =	simm.s32 @!p0 $0x108  }
0x21: {  	s3 =	sadd.s32 s3, s9;
	s6 =	sadd.s32 @!p0 $0x88, s6;
	s7 =	simm.s32 @p2 $0x1082  }
0x22: {  	[simem:s7], [sflag:s8] =	dma.local @!p0 [hbm:s6], $0xF7A  }
0x23: {  	s9 =	sor.u32 $0xD0000000, s2;
	s6 =	simm.s32 $0x108;
	_ =	swait.ge @!p0 [sflag:s8], $0x0  }
0x24: {  	s3 =	sadd.s32 $0x88, s3;
	s6 =	simm.s32 @!p1 $0x1082;
	[sflag:s4] =	ssyncset.s32 $0xFFFFF086  }
0x25: {  	[simem:s6], [sflag:s4] =	dma.local [hbm:s3], $0xF7A  }
0x26: {  	[smem:$0x3F8E] =	sst s1;
	(tag) =	ssettag s2;
	_ =	strace s9  }
0x27: {  	s1 =	sld [smem:$0x3F9E]  }
0x28: {  	s2 =	sld [smem:$0x3F9F]  }
0x29: {  	s4 =	sld [smem:$0x3FA1]  }
0x2a: {  	p0 =	seq.s32 s5, $0x0;
	s5 =	sld [smem:$0x3FA2]  }
0x2b: {  	s6 =	sld [smem:$0x3FA3]  }
0x2c: {  	s7 =	sld [smem:$0x3FA4]  }
0x2d: {  	s3 =	simm.s32 $0x108;
	s8 =	sld [smem:$0x3FA5]  }
0x2e: {  	s3 =	simm.s32 @!p0 $0x1082;
	s9 =	sld [smem:$0x3FA6]  }
0x2f: {  	lr =	sadd.s32 s0, s3;
	s0 =	sld [smem:$0x3F9D]  }
0x30: {  	s3 =	sld [smem:$0x3FA0]  }
0x31: {  	[smem:$0x3FA9] =	sst s10  }
0x32: {  	s10 =	sld [smem:$0x3FA7];
	_ =	sdelay $0x3  }
0x33: {  	p0 =	seq.s32 s10, $0x1;
	s10 =	sld [smem:$0x3FA9];
	_ =	sdelay $0x3  }
0x34: {  	[smem:$0x3FA9] =	sst s10  }
0x35: {  	s10 =	sld [smem:$0x3FA8];
	_ =	sdelay $0x3  }
0x36: {  	p1 =	seq.s32 s10, $0x1;
	s10 =	sld [smem:$0x3FA9];
	_ =	sdelay $0x3  }
0x37: {  	[smem:$0x3FA9] =	sst s10  }
0x38: {  	s10 =	sld [smem:$0x3FAA]  }
0x39: {  	_ = 	snop;
	(pc) =	sbr.ind lr, $3  }
0x3a: {  	_ = 	snop  }
0x3b: {  	_ = 	snop  }
0x3c: {  	p2 =	seq.s32 s10, $0x1;
	s10 =	sld [smem:$0x3FA9]  }
0x3d: {  	_ =	shalt  }
0x3e: {  	_ =	shalt  }
0x3f: {  	_ =	shalt  }
0x40: {  	_ =	shalt  }
0x41: {  	_ =	shalt  }
0x42: {  	_ =	shalt  }
0x43: {  	_ =	shalt  }
0x44: {  	_ =	shalt  }
0x45: {  	_ =	shalt  }
0x46: {  	_ =	shalt  }
0x47: {  	_ =	shalt  }
0x48: {  	_ =	shalt  }
0x49: {  	_ =	shalt  }
0x4a: {  	_ =	shalt  }
0x4b: {  	_ =	shalt  }
0x4c: {  	_ =	shalt  }
0x4d: {  	_ =	shalt  }
0x4e: {  	_ =	shalt  }
0x4f: {  	_ =	shalt  }
0x50: {  	_ =	shalt  }
0x51: {  	_ =	shalt  }
0x52: {  	_ =	shalt  }
0x53: {  	_ =	shalt  }
0x54: {  	_ =	shalt  }
0x55: {  	_ =	shalt  }
0x56: {  	_ =	shalt  }
0x57: {  	_ =	shalt  }
0x58: {  	_ =	shalt  }
0x59: {  	_ =	shalt  }
0x5a: {  	_ =	shalt  }
0x5b: {  	_ =	shalt  }
0x5c: {  	_ =	shalt  }
0x5d: {  	_ =	shalt  }
0x5e: {  	_ =	shalt  }
0x5f: {  	_ =	shalt  }
0x60: {  	_ =	shalt  }
0x61: {  	_ =	shalt  }
0x62: {  	_ =	shalt  }
0x63: {  	_ =	shalt  }
0x64: {  	_ =	shalt  }
0x65: {  	_ =	shalt  }
0x66: {  	_ =	shalt  }
0x67: {  	_ =	shalt  }
0x68: {  	_ =	shalt  }
0x69: {  	_ =	shalt  }
0x6a: {  	_ =	shalt  }
0x6b: {  	_ =	shalt  }
0x6c: {  	_ =	shalt  }
0x6d: {  	_ =	shalt  }
0x6e: {  	_ =	shalt  }
0x6f: {  	_ =	shalt  }
0x70: {  	_ =	shalt  }
0x71: {  	_ =	shalt  }
0x72: {  	_ =	shalt  }
0x73: {  	_ =	shalt  }
0x74: {  	_ =	shalt  }
0x75: {  	_ =	shalt  }
0x76: {  	_ =	shalt  }
0x77: {  	_ =	shalt  }
0x78: {  	_ =	shalt  }
0x79: {  	_ =	shalt  }
0x7a: {  	_ =	shalt  }
0x7b: {  	_ =	shalt  }
0x7c: {  	_ =	shalt  }
0x7d: {  	_ =	shalt  }
0x7e: {  	_ =	shalt  }
0x7f: {  	_ =	shalt  }
0x80: {  	_ =	shalt  }
0x81: {  	_ =	shalt  }
0x82: {  	_ =	shalt  }
0x83: {  	_ =	shalt  }
0x84: {  	_ =	shalt  }
0x85: {  	_ =	shalt  }
0x86: {  	_ =	shalt  }
0x87: {  	_ =	shalt  }
.Lfunc_end0:
.L_simem_size_0:
called_computation_lowered:
.L_overlay_start_0:
0x88: {  	s2 =	sld [smem:$0x3FD9]  }
0x89: {  	s3 =	sld [smem:$0x3FFE];
	_ =	sdelay $0x1  }
0x8a: {  	s1 =	srdreg.scid  }
0x8b: {  	s0 =	sand.u32 $0x1, s1  }
0x8c: {  	s14 =	sshll.u32 s0, $0xA;
	s2 =	sadd.s32 s3, s2  }
0x8d: {  	s2 =	sadd.s32 s2, s14  }
0x8e: {  	[smem:$0x3FB5] =	sst s2  }
0x8f: {  	_ = 	snop  }
0x90: {  	s2 =	sld [smem:$0x3FD0];
	_ =	sdelay $0x2  }
0x91: {  	s15 =	simm.s32 $0xA;
	s4 =	simm.s32 $0x10  }
0x92: {  	[smem:s4], [sflag:s15] =	dma.local [hbm:s2], $0x1  }
0x93: {  	_ =	swait.eq [sflag:s15], $0x1  }
0x94: {  	[sflag:s15] =	ssyncset.done $0x0  }
0x95: {  	s16 =	sld [smem:$0x11];
	[sflag:s15] =	ssyncadd.s32 $0xFFFFFFFF  }
0x96: {  	s17 =	sld [smem:$0x12];
	(tm) =	ssettm $0x1  }
0x97: {  	s18 =	sld [smem:$0x3FFB];
	_ =	sdelay $0x3  }
0x98: {  	_ =	strace s18  }
0x99: {  	s4 =	sld [smem:$0x3FFC];
	_ =	sdelay $0x3  }
0x9a: {  	_ =	strace s4  }
0x9b: {  	s4 =	sld [smem:$0x3FFD];
	_ =	sdelay $0x3  }
0x9c: {  	_ =	strace s4  }
0x9d: {  	_ =	strace $0x8FFFFFFF  }
0x9e: {  	s19 =	sld [smem:$0x3FDB];
	_ =	sdelay $0x1  }
0x9f: {  	s5 =	simm.s32 $_scs_section_size  }
0xa0: {  	s6 =	simm.s32 $_size__tile_overlayer_lowered;
	s7 =	simm.s32 $_tile_overlayer_lowered  }
0xa1: {  	s22 =	simm.s32 $0x1BFF;
	s21 =	sshll.u32 s7, $0x1;
	s4 =	sadd.s32 s5, s19  }
0xa2: {  	s8 =	simm.s32 $0x0;
	s20 =	sshll.u32 s6, $0x1;
	s6 =	sadd.s32 s21, s4  }
0xa3: {  	[timem:s8], [sflag:s22] =	dma.local [hbm:s6], s20  }
0xa4: {  	_ =	swait.ge [sflag:s22], s20  }
0xa5: {  	s5 =	ssub.s32 $0x0, s20;
	[sflag:s22] =	ssyncset.done $0x0  }
0xa6: {  	[sflag:s22] =	ssyncadd.s32 s5;
	_ =	sdelay $0x1  }
0xa7: {  	s23 =	simm.s32 $0x1B8B  }
0xa8: {  	_ =	swait.ge [sflag:s23], $0x1  }
0xa9: {  	[sflag:s23] =	ssyncset.done $0x0  }
0xaa: {  	s25 =	simm.s32 $0x1B8E;
	s24 =	sld [smem:$0x3FFE];
	[sflag:s23] =	ssyncadd.s32 $0xFFFFFFFF  }
0xab: {  	s26 =	simm.s32 $execute0_lowered;
	[smem:$0x3FD2] =	sst s25  }
0xac: {  	s6 =	sshll.u32 s26, $0x1;
	_ =	strace $0x80000046;
	[dreg:$0x1] =	wrdreg $0xFFFFFFFF  }
0xad: {  	s28 =	simm.s32 $_size_execute0_lowered;
	s4 =	sadd.s32 s4, s6;
	[dreg:$0x0] =	wrdreg $0x0  }
0xae: {  	s6 =	sshll.u32 s28, $0x1;
	[dreg:$0x2] =	wrdreg s4  }
0xaf: {  	[dreg:$0x3] =	wrdreg s6  }
0xb0: {  	[dreg:$0x4] =	wrdreg $0xC0  }
0xb1: {  	_ =	task [dreg:s8], $0x5FFFF  }
0xb2: {  	[dreg:$0x1] =	wrdreg $0xFFFFFFFF  }
0xb3: {  	[dreg:$0x0] =	wrdreg $0x60  }
0xb4: {  	[dreg:$0x2] =	wrdreg s17  }
0xb5: {  	[dreg:$0x3] =	wrdreg s16  }
0xb6: {  	[dreg:$0x4] =	wrdreg s24  }
0xb7: {  	[dreg:$0x5] =	wrdreg $0x9  }
0xb8: {  	_ =	task.clear_ibuf [dreg:s8], $0x6FFFF;
	_ =	strace $0x90000046  }
0xb9: {  	s29 =	simm.s32 $0x9;
	_ =	strace $0x80000048  }
0xba: {  	_ =	swait.ge [sflag:s29], $0x1  }
0xbb: {  	[sflag:s29] =	ssyncadd.s32 $0xFFFFFFFF  }
0xbc: {  	_ =	strace $0x90000048  }
0xbd: {  	_ =	sfence  }
0xbe: {  	s30 =	sld [smem:$0x0];
	_ =	sdelay $0x2  }
0xbf: {  	s31 =	sshll.u32 s1, $0xD;
	s1 =	sshrl.u32 s1, $0x2  }
0xc0: {  	s3 =	sand.u32 $0x4000, s31;
	s1 =	sadd.s32 s1, s30  }
0xc1: {  	s0 =	sor.u32 s3, s0;
	s1 =	sshll.u32 s1, $0x11  }
0xc2: {  	s0 =	sor.u32 s1, s0  }
0xc3: {  	s0 =	sadd.s32 $0x8F2B, s0  }
0xc4: {  	[sflag:s0] =	ssyncadd.remote.s32 $0x1  }
0xc5: {  	_ =	sfence.sel $0xFFFF  }
0xc6: {  	[dreg:$0x0] =	wrdreg $0xFFFFFFFF;
	(pc) =	sbr.abs _section_cstart, $3  }
0xc7: {  	[dreg:$0x1] =	wrdreg $0xFFFFFFFF  }
0xc8: {  	_ =	task.clear_ibuf [dreg:s8], $0x2FFFF;
	_ =	strace $0x9FFFFFFF  }
0xc9: {  	(tm) =	ssettm $0x7FFFFFFF  }
tec
execute0_lowered:
.L_overlay_start_1:
0x0: {  	(tag) =	ssettag $0x1  }
0x1: {  	s2 =	rddreg [dreg:$0x0]  }
0x2: {  	s4 =	rddreg [dreg:$0x1]  }
0x3: {  	s1 =	srdreg.scid;
	s0 =	stileid.u32  }
0x4: {  	s11 =	rddreg [dreg:$0x2];
	s9 =	sand.u32 $0x1, s1;
	s5 =	sshll.u32 s0, $0x1  }
0x5: {  	s3 =	simm.s32 $0x0;
	s1 =	rddreg [dreg:$0x3];
	s12 =	sor.u32 s9, s5  }
0x6: {  	[smem:$0x7FF] =	sst s3;
	s5 =	sshll.u32 s12, $0x5  }
0x7: {  	_ =	strace $0x80000047;
	s5 =	sadd.s32 s4, s5;
	s4 =	simm.s32 $0x2  }
0x8: {  	[tilespmem:s3], [sflag:$0x2] =	stream.linear.gather [hbm4b:s5+s3], $0x100, $0x38;
	[tilespmem:$0x6500] =	vst v63  }
0x9: {  	_ =	swait.ge [sflag:s4], $0x100  }
0xa: {  	s6 =	simm.s32 $0x64;
	s7 =	simm.s32 $0x100;
	[sflag:s4] =	ssyncset.done $0x0  }
0xb: {  	s8 =	simm.s32 $0x1;
	s13 =	ssub.s32 $0x2, s9;
	[sflag:s4] =	ssyncadd.s32 $0xFFFFFF00  }
0xc: {  	[tilespmem:s7], [sflag:$0x1] =	stream.indirect.gather [hbm4b:s2+s6], $0x80, s3, s6, $0xb8;
	[tilespmem:$0x6500] =	vst v63  }
0xd: {  	s14 =	sshrl.u32 s13, $0x1;
	_ =	swait.ge [sflag:s8], $0x3200  }
0xe: {  	s10 =	simm.s32 $0x3300;
	s13 =	ssub.s32 s13, s14;
	[sflag:s8] =	ssyncset.done $0x0  }
0xf: {  	s9 =	simm.s32 $0x80;
	s31 =	smax.u32 s13, $0x1;
	[sflag:s8] =	ssyncadd.s32 $0xFFFFCE00  }
0x10: {  	[tilespmem:s10], [sflag:$0x1] =	stream.indirect.gather [hbm4b:s2+s6], $0x80, s9, s6, $0xb8;
	[tilespmem:$0x6500] =	vst v63  }
0x11: {  	s12 =	smul.u32 $0xC80, s12;
	p0 =	sne.s32 s31, $0x1;
	_ =	swait.ge [sflag:s8], $0x3200  }
.Ltmp0:
0x12: {  	[sflag:s8] =	ssyncset.done $0x0;
	(pc) =	sbr.rel @!p0 .LBB2_2-.Ltmp0, $4  }
0x13: {  	s11 =	sadd.s32 s11, s12;
	[sflag:s8] =	ssyncadd.s32 $0xFFFFCE00  }
0x14: {  	[hbm4b:s11+s3] =	stream.linear.scatter [tilespmem:s7], [sflag:$0x2], $0x6400, $0x38;
	[tilespmem:$0x6500] =	vst v63  }
0x15: {  	_ =	swait.ge [sflag:s4], $0x6400  }
0x16: {  	s12 =	sadd.s32 $0xFFFFFFFF, s31;
	[sflag:s4] =	ssyncset.done $0x0  }
.LBB2_1:
0x17: {  	p0 =	sne.s32 s12, $0x1;
	s12 =	sadd.s32 $0xFFFFFFFF, s12;
	[sflag:s4] =	ssyncadd.s32 $0xFFFF9C00  }
0x18: {  	[tilespmem:s3], [sflag:$0x2] =	stream.linear.gather [hbm4b:s5+s3], $0x100, $0x38;
	[tilespmem:$0x6500] =	vst v63  }
0x19: {  	_ =	swait.ge [sflag:s4], $0x100  }
0x1a: {  	[sflag:s4] =	ssyncset.done $0x0  }
0x1b: {  	[sflag:s4] =	ssyncadd.s32 $0xFFFFFF00  }
0x1c: {  	[tilespmem:s7], [sflag:$0x1] =	stream.indirect.gather [hbm4b:s2+s6], $0x80, s3, s6, $0xb8;
	[tilespmem:$0x6500] =	vst v63  }
0x1d: {  	_ =	swait.ge [sflag:s8], $0x3200  }
0x1e: {  	[sflag:s8] =	ssyncset.done $0x0  }
0x1f: {  	[sflag:s8] =	ssyncadd.s32 $0xFFFFCE00  }
0x20: {  	[tilespmem:s10], [sflag:$0x1] =	stream.indirect.gather [hbm4b:s2+s6], $0x80, s9, s6, $0xb8;
	[tilespmem:$0x6500] =	vst v63  }
0x21: {  	_ =	swait.ge [sflag:s8], $0x3200  }
.Ltmp1:
0x22: {  	[sflag:s8] =	ssyncset.done $0x0;
	(pc) =	sbr.rel @p0 .LBB2_1-.Ltmp1, $4  }
0x23: {  	[sflag:s8] =	ssyncadd.s32 $0xFFFFCE00  }
0x24: {  	[hbm4b:s11+s3] =	stream.linear.scatter [tilespmem:s7], [sflag:$0x2], $0x6400, $0x38;
	[tilespmem:$0x6500] =	vst v63  }
0x25: {  	_ =	swait.ge [sflag:s4], $0x6400  }
0x26: {  	[sflag:s4] =	ssyncset.done $0x0  }
.LBB2_2:
0x27: {  	[sflag:s4] =	ssyncadd.s32 $0xFFFF9C00  }
0x28: {  	_ =	sfence.sel $0x180000  }
0x29: {  	[bflag:$0x0] =	sbarrier.arrive $0xFFFF  }
0x2a: {  	p0 =	sne.s32 s0, $0x0;
	_ =	strace $0x90000047  }
0x2b: {  	s0 =	sadd.s32 @!p0 $0x100000, s1;
	[bflag:$0x2] =	sbarrier.arrive $0xFFFF  }
0x2c: {  	[sflag:s0] =	ssyncadd.tile.s32 @!p0 $0x1;
	_ =	shalt  }
.Lfunc_end2:
_tile_overlayer_lowered:
.L_overlay_start_2:
0x2d: {  	(tag) =	ssettag $0x2  }
0x2e: {  	s0 =	rddreg [dreg:$0x0];
	s2 =	stileid.u32  }
0x2f: {  	s1 =	rddreg [dreg:$0x1];
	p0 =	sne.s32 s2, $0x0  }
0x30: {  	s3 =	rddreg [dreg:$0x2];
	[bflag:$0x3] =	sbarrier.arrive $0xFFFF;
	s2 =	simm.s32 @!p0 $0x1C02  }
0x31: {  	[timem:s3], [sflag:s2] =	dma.local @!p0 [hbm:s0], s1  }
0x32: {  	s0 =	simm.s32 @!p0 $0x2  }
0x33: {  	_ =	swait.ge @!p0 [sflag:s0], s1  }
0x34: {  	s1 =	ssub.s32 @!p0 $0x0, s1;
	[sflag:s0] =	ssyncset.done @!p0 $0x0  }
0x35: {  	[sflag:s0] =	ssyncadd.s32 @!p0 s1  }
0x36: {  	[bflag:$0x3] =	sbarrier.arrive $0xFFFF  }
0x37: {  	_ =	shalt  }

</sc_bundles>
